<compile_context>
chip_gen: v7x
topology: tpu7x:2x2x1
jax: 0.10.2.dev20260603
libtpu: 0.0.44.dev20260713+nightly
codegen_flags: <defaults>
</compile_context>

<pallas_src>
import functools

import jax
import jax.numpy as jnp
from jax import lax
from jax.experimental import pallas as pl
from jax.experimental.pallas import tpu as pltpu
from jax.experimental.pallas import tpu_sc as plsc

_B = 128
_N = 100000
_NW = 32
_ROWS_PER_W = _B // _NW
_VPB = 10
_EPB = _VPB * 16
_NBLK = _N // _EPB


def _sc_topk_partials(logits):
    mesh = plsc.VectorSubcoreMesh(core_axis_name="c", subcore_axis_name="s")

    @functools.partial(
        pl.kernel,
        mesh=mesh,
        compiler_params=pltpu.CompilerParams(needs_layout_passes=False),
        out_type=jax.ShapeDtypeStruct((_NW * 16,), jnp.float32),
        scratch_types=[
            pltpu.VMEM((_N,), jnp.float32),
            pltpu.VMEM((16,), jnp.float32),
        ],
    )
    def k(logits_hbm, out_hbm, buf, res_v):
        wid = lax.axis_index("c") * 16 + lax.axis_index("s")
        idx16 = lax.iota(jnp.int32, 16)
        sel10 = (idx16 >= 6).astype(jnp.float32)

        def row_body(j, acc):
            row = wid * _ROWS_PER_W + j
            pltpu.sync_copy(logits_hbm.at[row], buf)
            tgt = buf[pl.ds(0, 16)][0]

            def blk_body(i, R):
                base = i * _EPB
                vs = [buf[pl.ds(base + kk * 16, 16)] for kk in range(_VPB)]
                m = vs[0]
                for v in vs[1:]:
                    m = jnp.maximum(m, v)
                t = R[6]

                def merge(Rm):
                    for v in vs:
                        def merge1(Ri, v=v):
                            sv = jnp.sort(v)
                            cand = jnp.maximum(Ri, jnp.flip(sv))
                            return jnp.sort(cand)

                        Rm = lax.cond(jnp.any(v > Rm[6]), merge1,
                                      lambda Ri: Ri, Rm)
                    return Rm

                return lax.cond(jnp.any(m > t), merge, lambda Ri: Ri, R)

            R0 = jnp.full((16,), -jnp.inf, dtype=jnp.float32)
            R = lax.fori_loop(0, _NBLK, blk_body, R0)
            s10 = jnp.sum(R * sel10)
            contrib = tgt - (s10 - R[15]) * jnp.float32(1.0 / 9.0)
            return acc + contrib

        acc = lax.fori_loop(0, _ROWS_PER_W, row_body, jnp.float32(0.0))
        res_v[...] = jnp.full((16,), acc, dtype=jnp.float32)
        pltpu.sync_copy(res_v, out_hbm.at[pl.ds(wid * 16, 16)])

    return k(logits)


def _finish(partials):
    def fk(p_ref, o_ref):
        o_ref[0, 0] = jnp.sum(p_ref[:, 0:1]) / jnp.float32(_B)

    return pl.pallas_call(
        fk,
        out_shape=jax.ShapeDtypeStruct((1, 1), jnp.float32),
        in_specs=[pl.BlockSpec(memory_space=pltpu.VMEM)],
        out_specs=pl.BlockSpec(memory_space=pltpu.SMEM),
    )(partials.reshape(_NW, 16))


def kernel(logits):
    partials = _sc_topk_partials(logits)
    return _finish(partials).reshape(())

# --- scband reference (transcript-rebuilt; emitter-appended) ---
"""Pipeline reference for scband-topk-loss-74388833567283 (READ-ONLY COPY).

The authoritative reference and input builder live on the scoring server;
editing this copy changes nothing except your own understanding.
"""

import jax, jax.numpy as jnp
import numpy as np

LABELS = jnp.array([0], dtype=jnp.int32)
TOP_K = 10
TARGETED = True


def setup_inputs(seed: int = 0) -> dict:
    key = jax.random.key(seed)
    logits = jax.random.normal(key, (128, 100000), dtype=jnp.float32)
    return {"logits": logits}


def reference(logits):
    # topk over class dimension (dim=1)
    topk_logits, _ = jax.lax.top_k(logits, TOP_K)
    # mean of the top-k logits excluding the single largest
    nontg_logits = jnp.mean(topk_logits[:, 1:], axis=1)
    # target-class logit minus mean of non-target top logits
    topk_total = logits[:, LABELS[0]] - nontg_logits
    loss = jnp.mean(topk_total)
    if not TARGETED:
        loss = -loss
    return loss

if __name__ == "__main__":
    import jax
    _d = setup_inputs()
    print(jax.jit(kernel)(*tuple(_d.values())))

</pallas_src>

<mosaic_0001>
#map = affine_map<(d0, d1) -> (0, 0)>
#map1 = affine_map<(d0, d1) -> (0)>
module attributes {stable_mosaic.version = 14 : i64} {
  func.func @k(%arg0: i32, %arg1: i32, %arg2: memref<128x100000xf32, #tpu.memory_space<hbm>>, %arg3: memref<512xf32, #tpu.memory_space<hbm>>, %arg4: memref<100000xf32, #tpu.memory_space<vmem>>, %arg5: memref<16xf32, #tpu.memory_space<vmem>>) attributes {dimension_semantics = [#tpu.dimension_semantics<core_parallel>, #tpu.dimension_semantics<subcore_parallel>], iteration_bounds = array<i64: 2, 16>, scalar_prefetch = 0 : i64, scratch_operands = 2 : i64, tpu.core_type = #tpu.core_type<sc_vector_subcore>, window_params = [{transform_indices = #map}, {transform_indices = #map1}]} {
    %mul3A = arith.constant 16 : i32
    %mul3A_0 = arith.muli %arg0, %mul3A : i32
    %add3A = arith.addi %mul3A_0, %arg1 : i32
    %iota3A = tpu.iota {dimensions = array<i32: 0>} : vector<16xi32>
    %ge3A = arith.constant 6 : i32
    %ge3A_1 = vector.broadcast %ge3A : i32 to vector<16xi32>
    %ge3A_2 = arith.cmpi sge, %iota3A, %ge3A_1 : vector<16xi32>
    %convert_element_type3A = arith.extui %ge3A_2 : vector<16xi1> to vector<16xi32>
    %convert_element_type3A_3 = arith.sitofp %convert_element_type3A : vector<16xi32> to vector<16xf32>
    %scan3A = arith.constant 0.000000e+00 : f32
    %scan3A_4 = arith.constant 0 : i32
    %scan3A_5 = arith.constant 4 : i32
    %scan3A_6 = arith.addi %scan3A_4, %scan3A_5 : i32
    %scan3A_7 = arith.constant 1 : i32
    %scan3A_8 = scf.for %scan3A_13 = %scan3A_4 to %scan3A_6 step %scan3A_7 iter_args(%scan3A_14 = %scan3A) -> (f32)  : i32 {
      %mul3A_15 = arith.constant 4 : i32
      %mul3A_16 = arith.muli %add3A, %mul3A_15 : i32
      %add3A_17 = arith.addi %mul3A_16, %scan3A_13 : i32
      "tpu.region"() ({
        %run_scoped3A = tpu.sem_alloc : memref<!tpu.dma_semaphore, #tpu.memory_space<semaphore_mem>>
        %dma_start3A = arith.constant 0 : i32
        %dma_start3A_37 = tpu.memref_slice %arg2[%add3A_17, %dma_start3A] : memref<128x100000xf32, #tpu.memory_space<hbm>> -> memref<1x100000xf32, #tpu.memory_space<hbm>>
        %dma_start3A_38 = tpu.memref_squeeze %dma_start3A_37 : memref<1x100000xf32, #tpu.memory_space<hbm>> -> memref<100000xf32, #tpu.memory_space<hbm>>
        %dma_start3A_39 = arith.constant 0 : i32
        %dma_start3A_40 = tpu.memref_slice %arg2[%add3A_17, %dma_start3A_39] : memref<128x100000xf32, #tpu.memory_space<hbm>> -> memref<1x100000xf32, #tpu.memory_space<hbm>>
        %dma_start3A_41 = tpu.memref_squeeze %dma_start3A_40 : memref<1x100000xf32, #tpu.memory_space<hbm>> -> memref<100000xf32, #tpu.memory_space<hbm>>
        tpu.enqueue_dma source(%dma_start3A_41 : memref<100000xf32, #tpu.memory_space<hbm>>) target(%arg4 : memref<100000xf32, #tpu.memory_space<vmem>>) target_semaphore(%run_scoped3A : memref<!tpu.dma_semaphore, #tpu.memory_space<semaphore_mem>>)
        %dma_wait3A = arith.constant 0 : i32
        %dma_wait3A_42 = tpu.memref_slice %arg2[%add3A_17, %dma_wait3A] : memref<128x100000xf32, #tpu.memory_space<hbm>> -> memref<1x100000xf32, #tpu.memory_space<hbm>>
        %dma_wait3A_43 = tpu.memref_squeeze %dma_wait3A_42 : memref<1x100000xf32, #tpu.memory_space<hbm>> -> memref<100000xf32, #tpu.memory_space<hbm>>
        %dma_wait3A_44 = arith.constant 0 : i32
        %dma_wait3A_45 = tpu.memref_slice %arg2[%add3A_17, %dma_wait3A_44] : memref<128x100000xf32, #tpu.memory_space<hbm>> -> memref<1x100000xf32, #tpu.memory_space<hbm>>
        %dma_wait3A_46 = tpu.memref_squeeze %dma_wait3A_45 : memref<1x100000xf32, #tpu.memory_space<hbm>> -> memref<100000xf32, #tpu.memory_space<hbm>>
        tpu.wait_dma2 semaphore(%run_scoped3A : memref<!tpu.dma_semaphore, #tpu.memory_space<semaphore_mem>>) src(%dma_wait3A_46 : memref<100000xf32, #tpu.memory_space<hbm>>) dst(%arg4 : memref<100000xf32, #tpu.memory_space<vmem>>)
        tpu.yield
      }) : () -> ()
      %get3A = arith.constant 0 : index
      %get3A_18 = tpu.vector_load %arg4[%get3A] {strides = array<i32>} : memref<100000xf32, #tpu.memory_space<vmem>>, vector<16xf32>,
      %slice3A = vector.extract_strided_slice %get3A_18 {offsets = [0], sizes = [1], strides = [1]} : vector<16xf32> to vector<1xf32>
      %squeeze3A = vector.extract %slice3A[0] : f32 from vector<1xf32>
      %broadcast_in_dim3A_19 = arith.constant 0xFF800000 : f32
      %broadcast_in_dim3A_20 = vector.broadcast %broadcast_in_dim3A_19 : f32 to vector<16xf32>
      %scan3A_21 = arith.constant 0 : i32
      %scan3A_22 = arith.constant 625 : i32
      %scan3A_23 = arith.addi %scan3A_21, %scan3A_22 : i32
      %scan3A_24 = arith.constant 1 : i32
      %scan3A_25 = scf.for %scan3A_37 = %scan3A_21 to %scan3A_23 step %scan3A_24 iter_args(%scan3A_38 = %broadcast_in_dim3A_20) -> (vector<16xf32>)  : i32 {
        %mul3A_39 = arith.constant 160 : i32
        %mul3A_40 = arith.muli %scan3A_37, %mul3A_39 : i32
        %add3A_41 = arith.constant 0 : i32
        %add3A_42 = arith.addi %mul3A_40, %add3A_41 : i32
        %get3A_43 = arith.index_cast %add3A_42 : i32 to index
        %get3A_44 = tpu.vector_load %arg4[%get3A_43] {strides = array<i32>} : memref<100000xf32, #tpu.memory_space<vmem>>, vector<16xf32>,
        %add3A_45 = arith.constant 16 : i32
        %add3A_46 = arith.addi %mul3A_40, %add3A_45 : i32
        %get3A_47 = arith.index_cast %add3A_46 : i32 to index
        %get3A_48 = tpu.vector_load %arg4[%get3A_47] {strides = array<i32>} : memref<100000xf32, #tpu.memory_space<vmem>>, vector<16xf32>,
        %add3A_49 = arith.constant 32 : i32
        %add3A_50 = arith.addi %mul3A_40, %add3A_49 : i32
        %get3A_51 = arith.index_cast %add3A_50 : i32 to index
        %get3A_52 = tpu.vector_load %arg4[%get3A_51] {strides = array<i32>} : memref<100000xf32, #tpu.memory_space<vmem>>, vector<16xf32>,
        %add3A_53 = arith.constant 48 : i32
        %add3A_54 = arith.addi %mul3A_40, %add3A_53 : i32
        %get3A_55 = arith.index_cast %add3A_54 : i32 to index
        %get3A_56 = tpu.vector_load %arg4[%get3A_55] {strides = array<i32>} : memref<100000xf32, #tpu.memory_space<vmem>>, vector<16xf32>,
        %add3A_57 = arith.constant 64 : i32
        %add3A_58 = arith.addi %mul3A_40, %add3A_57 : i32
        %get3A_59 = arith.index_cast %add3A_58 : i32 to index
        %get3A_60 = tpu.vector_load %arg4[%get3A_59] {strides = array<i32>} : memref<100000xf32, #tpu.memory_space<vmem>>, vector<16xf32>,
        %add3A_61 = arith.constant 80 : i32
        %add3A_62 = arith.addi %mul3A_40, %add3A_61 : i32
        %get3A_63 = arith.index_cast %add3A_62 : i32 to index
        %get3A_64 = tpu.vector_load %arg4[%get3A_63] {strides = array<i32>} : memref<100000xf32, #tpu.memory_space<vmem>>, vector<16xf32>,
        %add3A_65 = arith.constant 96 : i32
        %add3A_66 = arith.addi %mul3A_40, %add3A_65 : i32
        %get3A_67 = arith.index_cast %add3A_66 : i32 to index
        %get3A_68 = tpu.vector_load %arg4[%get3A_67] {strides = array<i32>} : memref<100000xf32, #tpu.memory_space<vmem>>, vector<16xf32>,
        %add3A_69 = arith.constant 112 : i32
        %add3A_70 = arith.addi %mul3A_40, %add3A_69 : i32
        %get3A_71 = arith.index_cast %add3A_70 : i32 to index
        %get3A_72 = tpu.vector_load %arg4[%get3A_71] {strides = array<i32>} : memref<100000xf32, #tpu.memory_space<vmem>>, vector<16xf32>,
        %add3A_73 = arith.constant 128 : i32
        %add3A_74 = arith.addi %mul3A_40, %add3A_73 : i32
        %get3A_75 = arith.index_cast %add3A_74 : i32 to index
        %get3A_76 = tpu.vector_load %arg4[%get3A_75] {strides = array<i32>} : memref<100000xf32, #tpu.memory_space<vmem>>, vector<16xf32>,
        %add3A_77 = arith.constant 144 : i32
        %add3A_78 = arith.addi %mul3A_40, %add3A_77 : i32
        %get3A_79 = arith.index_cast %add3A_78 : i32 to index
        %get3A_80 = tpu.vector_load %arg4[%get3A_79] {strides = array<i32>} : memref<100000xf32, #tpu.memory_space<vmem>>, vector<16xf32>,
        %max3A = arith.maximumf %get3A_44, %get3A_48 : vector<16xf32>
        %max3A_81 = arith.maximumf %max3A, %get3A_52 : vector<16xf32>
        %max3A_82 = arith.maximumf %max3A_81, %get3A_56 : vector<16xf32>
        %max3A_83 = arith.maximumf %max3A_82, %get3A_60 : vector<16xf32>
        %max3A_84 = arith.maximumf %max3A_83, %get3A_64 : vector<16xf32>
        %max3A_85 = arith.maximumf %max3A_84, %get3A_68 : vector<16xf32>
        %max3A_86 = arith.maximumf %max3A_85, %get3A_72 : vector<16xf32>
        %max3A_87 = arith.maximumf %max3A_86, %get3A_76 : vector<16xf32>
        %max3A_88 = arith.maximumf %max3A_87, %get3A_80 : vector<16xf32>
        %slice3A_89 = vector.extract_strided_slice %scan3A_38 {offsets = [6], sizes = [1], strides = [1]} : vector<16xf32> to vector<1xf32>
        %squeeze3A_90 = vector.extract %slice3A_89[0] : f32 from vector<1xf32>
        %gt3A = vector.broadcast %squeeze3A_90 : f32 to vector<16xf32>
        %gt3A_91 = arith.cmpf ogt, %max3A_88, %gt3A : vector<16xf32>
        %reduce_or3A = arith.constant 1.000000e+00 : f32
        %reduce_or3A_92 = arith.constant 0.000000e+00 : f32
        %reduce_or3A_93 = vector.broadcast %reduce_or3A : f32 to vector<16xf32>
        %reduce_or3A_94 = vector.broadcast %reduce_or3A_92 : f32 to vector<16xf32>
        %reduce_or3A_95 = arith.select %gt3A_91, %reduce_or3A_93, %reduce_or3A_94 : vector<16xi1>, vector<16xf32>
        %reduce_or3A_96 = arith.constant true
        %reduce_or3A_97 = vector.broadcast %reduce_or3A_96 : i1 to vector<16xi1>
        %reduce_or3A_98 = tpu.scan <max>, %reduce_or3A_95 masked %reduce_or3A_97 : vector<16xf32>, vector<16xi1> -> vector<16xf32>
        %reduce_or3A_99 = vector.extract %reduce_or3A_98[15] : f32 from vector<16xf32>
        %reduce_or3A_100 = arith.constant 0.000000e+00 : f32
        %reduce_or3A_101 = arith.cmpf ogt, %reduce_or3A_99, %reduce_or3A_100 : f32
        %convert_element_type3A_102 = arith.extui %reduce_or3A_101 : i1 to i32
        %cond3A = arith.constant 0 : i32
        %cond3A_103 = arith.cmpi ne, %convert_element_type3A_102, %cond3A : i32
        %cond3A_104 = scf.if %cond3A_103 -> (vector<16xf32>) {
          %slice3A_105 = vector.extract_strided_slice %scan3A_38 {offsets = [6], sizes = [1], strides = [1]} : vector<16xf32> to vector<1xf32>
          %squeeze3A_106 = vector.extract %slice3A_105[0] : f32 from vector<1xf32>
          %gt3A_107 = vector.broadcast %squeeze3A_106 : f32 to vector<16xf32>
          %gt3A_108 = arith.cmpf ogt, %get3A_44, %gt3A_107 : vector<16xf32>
          %reduce_or3A_109 = arith.constant 1.000000e+00 : f32
          %reduce_or3A_110 = arith.constant 0.000000e+00 : f32
          %reduce_or3A_111 = vector.broadcast %reduce_or3A_109 : f32 to vector<16xf32>
          %reduce_or3A_112 = vector.broadcast %reduce_or3A_110 : f32 to vector<16xf32>
          %reduce_or3A_113 = arith.select %gt3A_108, %reduce_or3A_111, %reduce_or3A_112 : vector<16xi1>, vector<16xf32>
          %reduce_or3A_114 = arith.constant true
          %reduce_or3A_115 = vector.broadcast %reduce_or3A_114 : i1 to vector<16xi1>
          %reduce_or3A_116 = tpu.scan <max>, %reduce_or3A_113 masked %reduce_or3A_115 : vector<16xf32>, vector<16xi1> -> vector<16xf32>
          %reduce_or3A_117 = vector.extract %reduce_or3A_116[15] : f32 from vector<16xf32>
          %reduce_or3A_118 = arith.constant 0.000000e+00 : f32
          %reduce_or3A_119 = arith.cmpf ogt, %reduce_or3A_117, %reduce_or3A_118 : f32
          %convert_element_type3A_120 = arith.extui %reduce_or3A_119 : i1 to i32
          %cond3A_121 = arith.constant 0 : i32
          %cond3A_122 = arith.cmpi ne, %convert_element_type3A_120, %cond3A_121 : i32
          %cond3A_123 = scf.if %cond3A_122 -> (vector<16xf32>) {
            %sort3A = arith.constant dense<true> : vector<16xi1>
            %sort3A_295, %sort3A_296, %sort3A_297 = tpu.sort %get3A_44, %get3A_44 masked %sort3A : (vector<16xf32>, vector<16xf32>, vector<16xi1>) -> (vector<16xi1>, vector<16xf32>, vector<16xf32>)
            %rev3A = arith.constant 15 : i32
            %rev3A_298 = vector.broadcast %rev3A : i32 to vector<16xi32>
            %rev3A_299 = tpu.iota {dimensions = array<i32: 0>} : vector<16xi32>
            %rev3A_300 = arith.subi %rev3A_298, %rev3A_299 : vector<16xi32>
            %rev3A_301 = tpu.dynamic_gather %sort3A_296[%rev3A_300] in [0] : vector<16xf32>, vector<16xi32> -> vector<16xf32>
            %max3A_302 = arith.maximumf %scan3A_38, %rev3A_301 : vector<16xf32>
            %sort3A_303 = arith.constant dense<true> : vector<16xi1>
            %sort3A_304, %sort3A_305, %sort3A_306 = tpu.sort %max3A_302, %max3A_302 masked %sort3A_303 : (vector<16xf32>, vector<16xf32>, vector<16xi1>) -> (vector<16xi1>, vector<16xf32>, vector<16xf32>)
            scf.yield %sort3A_305 : vector<16xf32>
          } else {
            scf.yield %scan3A_38 : vector<16xf32>
          }
          %slice3A_124 = vector.extract_strided_slice %cond3A_123 {offsets = [6], sizes = [1], strides = [1]} : vector<16xf32> to vector<1xf32>
          %squeeze3A_125 = vector.extract %slice3A_124[0] : f32 from vector<1xf32>
          %gt3A_126 = vector.broadcast %squeeze3A_125 : f32 to vector<16xf32>
          %gt3A_127 = arith.cmpf ogt, %get3A_48, %gt3A_126 : vector<16xf32>
          %reduce_or3A_128 = arith.constant 1.000000e+00 : f32
          %reduce_or3A_129 = arith.constant 0.000000e+00 : f32
          %reduce_or3A_130 = vector.broadcast %reduce_or3A_128 : f32 to vector<16xf32>
          %reduce_or3A_131 = vector.broadcast %reduce_or3A_129 : f32 to vector<16xf32>
          %reduce_or3A_132 = arith.select %gt3A_127, %reduce_or3A_130, %reduce_or3A_131 : vector<16xi1>, vector<16xf32>
          %reduce_or3A_133 = arith.constant true
          %reduce_or3A_134 = vector.broadcast %reduce_or3A_133 : i1 to vector<16xi1>
          %reduce_or3A_135 = tpu.scan <max>, %reduce_or3A_132 masked %reduce_or3A_134 : vector<16xf32>, vector<16xi1> -> vector<16xf32>
          %reduce_or3A_136 = vector.extract %reduce_or3A_135[15] : f32 from vector<16xf32>
          %reduce_or3A_137 = arith.constant 0.000000e+00 : f32
          %reduce_or3A_138 = arith.cmpf ogt, %reduce_or3A_136, %reduce_or3A_137 : f32
          %convert_element_type3A_139 = arith.extui %reduce_or3A_138 : i1 to i32
          %cond3A_140 = arith.constant 0 : i32
          %cond3A_141 = arith.cmpi ne, %convert_element_type3A_139, %cond3A_140 : i32
          %cond3A_142 = scf.if %cond3A_141 -> (vector<16xf32>) {
            %sort3A = arith.constant dense<true> : vector<16xi1>
            %sort3A_295, %sort3A_296, %sort3A_297 = tpu.sort %get3A_48, %get3A_48 masked %sort3A : (vector<16xf32>, vector<16xf32>, vector<16xi1>) -> (vector<16xi1>, vector<16xf32>, vector<16xf32>)
            %rev3A = arith.constant 15 : i32
            %rev3A_298 = vector.broadcast %rev3A : i32 to vector<16xi32>
            %rev3A_299 = tpu.iota {dimensions = array<i32: 0>} : vector<16xi32>
            %rev3A_300 = arith.subi %rev3A_298, %rev3A_299 : vector<16xi32>
            %rev3A_301 = tpu.dynamic_gather %sort3A_296[%rev3A_300] in [0] : vector<16xf32>, vector<16xi32> -> vector<16xf32>
            %max3A_302 = arith.maximumf %cond3A_123, %rev3A_301 : vector<16xf32>
            %sort3A_303 = arith.constant dense<true> : vector<16xi1>
            %sort3A_304, %sort3A_305, %sort3A_306 = tpu.sort %max3A_302, %max3A_302 masked %sort3A_303 : (vector<16xf32>, vector<16xf32>, vector<16xi1>) -> (vector<16xi1>, vector<16xf32>, vector<16xf32>)
            scf.yield %sort3A_305 : vector<16xf32>
          } else {
            scf.yield %cond3A_123 : vector<16xf32>
          }
          %slice3A_143 = vector.extract_strided_slice %cond3A_142 {offsets = [6], sizes = [1], strides = [1]} : vector<16xf32> to vector<1xf32>
          %squeeze3A_144 = vector.extract %slice3A_143[0] : f32 from vector<1xf32>
          %gt3A_145 = vector.broadcast %squeeze3A_144 : f32 to vector<16xf32>
          %gt3A_146 = arith.cmpf ogt, %get3A_52, %gt3A_145 : vector<16xf32>
          %reduce_or3A_147 = arith.constant 1.000000e+00 : f32
          %reduce_or3A_148 = arith.constant 0.000000e+00 : f32
          %reduce_or3A_149 = vector.broadcast %reduce_or3A_147 : f32 to vector<16xf32>
          %reduce_or3A_150 = vector.broadcast %reduce_or3A_148 : f32 to vector<16xf32>
          %reduce_or3A_151 = arith.select %gt3A_146, %reduce_or3A_149, %reduce_or3A_150 : vector<16xi1>, vector<16xf32>
          %reduce_or3A_152 = arith.constant true
          %reduce_or3A_153 = vector.broadcast %reduce_or3A_152 : i1 to vector<16xi1>
          %reduce_or3A_154 = tpu.scan <max>, %reduce_or3A_151 masked %reduce_or3A_153 : vector<16xf32>, vector<16xi1> -> vector<16xf32>
          %reduce_or3A_155 = vector.extract %reduce_or3A_154[15] : f32 from vector<16xf32>
          %reduce_or3A_156 = arith.constant 0.000000e+00 : f32
          %reduce_or3A_157 = arith.cmpf ogt, %reduce_or3A_155, %reduce_or3A_156 : f32
          %convert_element_type3A_158 = arith.extui %reduce_or3A_157 : i1 to i32
          %cond3A_159 = arith.constant 0 : i32
          %cond3A_160 = arith.cmpi ne, %convert_element_type3A_158, %cond3A_159 : i32
          %cond3A_161 = scf.if %cond3A_160 -> (vector<16xf32>) {
            %sort3A = arith.constant dense<true> : vector<16xi1>
            %sort3A_295, %sort3A_296, %sort3A_297 = tpu.sort %get3A_52, %get3A_52 masked %sort3A : (vector<16xf32>, vector<16xf32>, vector<16xi1>) -> (vector<16xi1>, vector<16xf32>, vector<16xf32>)
            %rev3A = arith.constant 15 : i32
            %rev3A_298 = vector.broadcast %rev3A : i32 to vector<16xi32>
            %rev3A_299 = tpu.iota {dimensions = array<i32: 0>} : vector<16xi32>
            %rev3A_300 = arith.subi %rev3A_298, %rev3A_299 : vector<16xi32>
            %rev3A_301 = tpu.dynamic_gather %sort3A_296[%rev3A_300] in [0] : vector<16xf32>, vector<16xi32> -> vector<16xf32>
            %max3A_302 = arith.maximumf %cond3A_142, %rev3A_301 : vector<16xf32>
            %sort3A_303 = arith.constant dense<true> : vector<16xi1>
            %sort3A_304, %sort3A_305, %sort3A_306 = tpu.sort %max3A_302, %max3A_302 masked %sort3A_303 : (vector<16xf32>, vector<16xf32>, vector<16xi1>) -> (vector<16xi1>, vector<16xf32>, vector<16xf32>)
            scf.yield %sort3A_305 : vector<16xf32>
          } else {
            scf.yield %cond3A_142 : vector<16xf32>
          }
          %slice3A_162 = vector.extract_strided_slice %cond3A_161 {offsets = [6], sizes = [1], strides = [1]} : vector<16xf32> to vector<1xf32>
          %squeeze3A_163 = vector.extract %slice3A_162[0] : f32 from vector<1xf32>
          %gt3A_164 = vector.broadcast %squeeze3A_163 : f32 to vector<16xf32>
          %gt3A_165 = arith.cmpf ogt, %get3A_56, %gt3A_164 : vector<16xf32>
          %reduce_or3A_166 = arith.constant 1.000000e+00 : f32
          %reduce_or3A_167 = arith.constant 0.000000e+00 : f32
          %reduce_or3A_168 = vector.broadcast %reduce_or3A_166 : f32 to vector<16xf32>
          %reduce_or3A_169 = vector.broadcast %reduce_or3A_167 : f32 to vector<16xf32>
          %reduce_or3A_170 = arith.select %gt3A_165, %reduce_or3A_168, %reduce_or3A_169 : vector<16xi1>, vector<16xf32>
          %reduce_or3A_171 = arith.constant true
          %reduce_or3A_172 = vector.broadcast %reduce_or3A_171 : i1 to vector<16xi1>
          %reduce_or3A_173 = tpu.scan <max>, %reduce_or3A_170 masked %reduce_or3A_172 : vector<16xf32>, vector<16xi1> -> vector<16xf32>
          %reduce_or3A_174 = vector.extract %reduce_or3A_173[15] : f32 from vector<16xf32>
          %reduce_or3A_175 = arith.constant 0.000000e+00 : f32
          %reduce_or3A_176 = arith.cmpf ogt, %reduce_or3A_174, %reduce_or3A_175 : f32
          %convert_element_type3A_177 = arith.extui %reduce_or3A_176 : i1 to i32
          %cond3A_178 = arith.constant 0 : i32
          %cond3A_179 = arith.cmpi ne, %convert_element_type3A_177, %cond3A_178 : i32
          %cond3A_180 = scf.if %cond3A_179 -> (vector<16xf32>) {
            %sort3A = arith.constant dense<true> : vector<16xi1>
            %sort3A_295, %sort3A_296, %sort3A_297 = tpu.sort %get3A_56, %get3A_56 masked %sort3A : (vector<16xf32>, vector<16xf32>, vector<16xi1>) -> (vector<16xi1>, vector<16xf32>, vector<16xf32>)
            %rev3A = arith.constant 15 : i32
            %rev3A_298 = vector.broadcast %rev3A : i32 to vector<16xi32>
            %rev3A_299 = tpu.iota {dimensions = array<i32: 0>} : vector<16xi32>
            %rev3A_300 = arith.subi %rev3A_298, %rev3A_299 : vector<16xi32>
            %rev3A_301 = tpu.dynamic_gather %sort3A_296[%rev3A_300] in [0] : vector<16xf32>, vector<16xi32> -> vector<16xf32>
            %max3A_302 = arith.maximumf %cond3A_161, %rev3A_301 : vector<16xf32>
            %sort3A_303 = arith.constant dense<true> : vector<16xi1>
            %sort3A_304, %sort3A_305, %sort3A_306 = tpu.sort %max3A_302, %max3A_302 masked %sort3A_303 : (vector<16xf32>, vector<16xf32>, vector<16xi1>) -> (vector<16xi1>, vector<16xf32>, vector<16xf32>)
            scf.yield %sort3A_305 : vector<16xf32>
          } else {
            scf.yield %cond3A_161 : vector<16xf32>
          }
          %slice3A_181 = vector.extract_strided_slice %cond3A_180 {offsets = [6], sizes = [1], strides = [1]} : vector<16xf32> to vector<1xf32>
          %squeeze3A_182 = vector.extract %slice3A_181[0] : f32 from vector<1xf32>
          %gt3A_183 = vector.broadcast %squeeze3A_182 : f32 to vector<16xf32>
          %gt3A_184 = arith.cmpf ogt, %get3A_60, %gt3A_183 : vector<16xf32>
          %reduce_or3A_185 = arith.constant 1.000000e+00 : f32
          %reduce_or3A_186 = arith.constant 0.000000e+00 : f32
          %reduce_or3A_187 = vector.broadcast %reduce_or3A_185 : f32 to vector<16xf32>
          %reduce_or3A_188 = vector.broadcast %reduce_or3A_186 : f32 to vector<16xf32>
          %reduce_or3A_189 = arith.select %gt3A_184, %reduce_or3A_187, %reduce_or3A_188 : vector<16xi1>, vector<16xf32>
          %reduce_or3A_190 = arith.constant true
          %reduce_or3A_191 = vector.broadcast %reduce_or3A_190 : i1 to vector<16xi1>
          %reduce_or3A_192 = tpu.scan <max>, %reduce_or3A_189 masked %reduce_or3A_191 : vector<16xf32>, vector<16xi1> -> vector<16xf32>
          %reduce_or3A_193 = vector.extract %reduce_or3A_192[15] : f32 from vector<16xf32>
          %reduce_or3A_194 = arith.constant 0.000000e+00 : f32
          %reduce_or3A_195 = arith.cmpf ogt, %reduce_or3A_193, %reduce_or3A_194 : f32
          %convert_element_type3A_196 = arith.extui %reduce_or3A_195 : i1 to i32
          %cond3A_197 = arith.constant 0 : i32
          %cond3A_198 = arith.cmpi ne, %convert_element_type3A_196, %cond3A_197 : i32
          %cond3A_199 = scf.if %cond3A_198 -> (vector<16xf32>) {
            %sort3A = arith.constant dense<true> : vector<16xi1>
            %sort3A_295, %sort3A_296, %sort3A_297 = tpu.sort %get3A_60, %get3A_60 masked %sort3A : (vector<16xf32>, vector<16xf32>, vector<16xi1>) -> (vector<16xi1>, vector<16xf32>, vector<16xf32>)
            %rev3A = arith.constant 15 : i32
            %rev3A_298 = vector.broadcast %rev3A : i32 to vector<16xi32>
            %rev3A_299 = tpu.iota {dimensions = array<i32: 0>} : vector<16xi32>
            %rev3A_300 = arith.subi %rev3A_298, %rev3A_299 : vector<16xi32>
            %rev3A_301 = tpu.dynamic_gather %sort3A_296[%rev3A_300] in [0] : vector<16xf32>, vector<16xi32> -> vector<16xf32>
            %max3A_302 = arith.maximumf %cond3A_180, %rev3A_301 : vector<16xf32>
            %sort3A_303 = arith.constant dense<true> : vector<16xi1>
            %sort3A_304, %sort3A_305, %sort3A_306 = tpu.sort %max3A_302, %max3A_302 masked %sort3A_303 : (vector<16xf32>, vector<16xf32>, vector<16xi1>) -> (vector<16xi1>, vector<16xf32>, vector<16xf32>)
            scf.yield %sort3A_305 : vector<16xf32>
          } else {
            scf.yield %cond3A_180 : vector<16xf32>
          }
          %slice3A_200 = vector.extract_strided_slice %cond3A_199 {offsets = [6], sizes = [1], strides = [1]} : vector<16xf32> to vector<1xf32>
          %squeeze3A_201 = vector.extract %slice3A_200[0] : f32 from vector<1xf32>
          %gt3A_202 = vector.broadcast %squeeze3A_201 : f32 to vector<16xf32>
          %gt3A_203 = arith.cmpf ogt, %get3A_64, %gt3A_202 : vector<16xf32>
          %reduce_or3A_204 = arith.constant 1.000000e+00 : f32
          %reduce_or3A_205 = arith.constant 0.000000e+00 : f32
          %reduce_or3A_206 = vector.broadcast %reduce_or3A_204 : f32 to vector<16xf32>
          %reduce_or3A_207 = vector.broadcast %reduce_or3A_205 : f32 to vector<16xf32>
          %reduce_or3A_208 = arith.select %gt3A_203, %reduce_or3A_206, %reduce_or3A_207 : vector<16xi1>, vector<16xf32>
          %reduce_or3A_209 = arith.constant true
          %reduce_or3A_210 = vector.broadcast %reduce_or3A_209 : i1 to vector<16xi1>
          %reduce_or3A_211 = tpu.scan <max>, %reduce_or3A_208 masked %reduce_or3A_210 : vector<16xf32>, vector<16xi1> -> vector<16xf32>
          %reduce_or3A_212 = vector.extract %reduce_or3A_211[15] : f32 from vector<16xf32>
          %reduce_or3A_213 = arith.constant 0.000000e+00 : f32
          %reduce_or3A_214 = arith.cmpf ogt, %reduce_or3A_212, %reduce_or3A_213 : f32
          %convert_element_type3A_215 = arith.extui %reduce_or3A_214 : i1 to i32
          %cond3A_216 = arith.constant 0 : i32
          %cond3A_217 = arith.cmpi ne, %convert_element_type3A_215, %cond3A_216 : i32
          %cond3A_218 = scf.if %cond3A_217 -> (vector<16xf32>) {
            %sort3A = arith.constant dense<true> : vector<16xi1>
            %sort3A_295, %sort3A_296, %sort3A_297 = tpu.sort %get3A_64, %get3A_64 masked %sort3A : (vector<16xf32>, vector<16xf32>, vector<16xi1>) -> (vector<16xi1>, vector<16xf32>, vector<16xf32>)
            %rev3A = arith.constant 15 : i32
            %rev3A_298 = vector.broadcast %rev3A : i32 to vector<16xi32>
            %rev3A_299 = tpu.iota {dimensions = array<i32: 0>} : vector<16xi32>
            %rev3A_300 = arith.subi %rev3A_298, %rev3A_299 : vector<16xi32>
            %rev3A_301 = tpu.dynamic_gather %sort3A_296[%rev3A_300] in [0] : vector<16xf32>, vector<16xi32> -> vector<16xf32>
            %max3A_302 = arith.maximumf %cond3A_199, %rev3A_301 : vector<16xf32>
            %sort3A_303 = arith.constant dense<true> : vector<16xi1>
            %sort3A_304, %sort3A_305, %sort3A_306 = tpu.sort %max3A_302, %max3A_302 masked %sort3A_303 : (vector<16xf32>, vector<16xf32>, vector<16xi1>) -> (vector<16xi1>, vector<16xf32>, vector<16xf32>)
            scf.yield %sort3A_305 : vector<16xf32>
          } else {
            scf.yield %cond3A_199 : vector<16xf32>
          }
          %slice3A_219 = vector.extract_strided_slice %cond3A_218 {offsets = [6], sizes = [1], strides = [1]} : vector<16xf32> to vector<1xf32>
          %squeeze3A_220 = vector.extract %slice3A_219[0] : f32 from vector<1xf32>
          %gt3A_221 = vector.broadcast %squeeze3A_220 : f32 to vector<16xf32>
          %gt3A_222 = arith.cmpf ogt, %get3A_68, %gt3A_221 : vector<16xf32>
          %reduce_or3A_223 = arith.constant 1.000000e+00 : f32
          %reduce_or3A_224 = arith.constant 0.000000e+00 : f32
          %reduce_or3A_225 = vector.broadcast %reduce_or3A_223 : f32 to vector<16xf32>
          %reduce_or3A_226 = vector.broadcast %reduce_or3A_224 : f32 to vector<16xf32>
          %reduce_or3A_227 = arith.select %gt3A_222, %reduce_or3A_225, %reduce_or3A_226 : vector<16xi1>, vector<16xf32>
          %reduce_or3A_228 = arith.constant true
          %reduce_or3A_229 = vector.broadcast %reduce_or3A_228 : i1 to vector<16xi1>
          %reduce_or3A_230 = tpu.scan <max>, %reduce_or3A_227 masked %reduce_or3A_229 : vector<16xf32>, vector<16xi1> -> vector<16xf32>
          %reduce_or3A_231 = vector.extract %reduce_or3A_230[15] : f32 from vector<16xf32>
          %reduce_or3A_232 = arith.constant 0.000000e+00 : f32
          %reduce_or3A_233 = arith.cmpf ogt, %reduce_or3A_231, %reduce_or3A_232 : f32
          %convert_element_type3A_234 = arith.extui %reduce_or3A_233 : i1 to i32
          %cond3A_235 = arith.constant 0 : i32
          %cond3A_236 = arith.cmpi ne, %convert_element_type3A_234, %cond3A_235 : i32
          %cond3A_237 = scf.if %cond3A_236 -> (vector<16xf32>) {
            %sort3A = arith.constant dense<true> : vector<16xi1>
            %sort3A_295, %sort3A_296, %sort3A_297 = tpu.sort %get3A_68, %get3A_68 masked %sort3A : (vector<16xf32>, vector<16xf32>, vector<16xi1>) -> (vector<16xi1>, vector<16xf32>, vector<16xf32>)
            %rev3A = arith.constant 15 : i32
            %rev3A_298 = vector.broadcast %rev3A : i32 to vector<16xi32>
            %rev3A_299 = tpu.iota {dimensions = array<i32: 0>} : vector<16xi32>
            %rev3A_300 = arith.subi %rev3A_298, %rev3A_299 : vector<16xi32>
            %rev3A_301 = tpu.dynamic_gather %sort3A_296[%rev3A_300] in [0] : vector<16xf32>, vector<16xi32> -> vector<16xf32>
            %max3A_302 = arith.maximumf %cond3A_218, %rev3A_301 : vector<16xf32>
            %sort3A_303 = arith.constant dense<true> : vector<16xi1>
            %sort3A_304, %sort3A_305, %sort3A_306 = tpu.sort %max3A_302, %max3A_302 masked %sort3A_303 : (vector<16xf32>, vector<16xf32>, vector<16xi1>) -> (vector<16xi1>, vector<16xf32>, vector<16xf32>)
            scf.yield %sort3A_305 : vector<16xf32>
          } else {
            scf.yield %cond3A_218 : vector<16xf32>
          }
          %slice3A_238 = vector.extract_strided_slice %cond3A_237 {offsets = [6], sizes = [1], strides = [1]} : vector<16xf32> to vector<1xf32>
          %squeeze3A_239 = vector.extract %slice3A_238[0] : f32 from vector<1xf32>
          %gt3A_240 = vector.broadcast %squeeze3A_239 : f32 to vector<16xf32>
          %gt3A_241 = arith.cmpf ogt, %get3A_72, %gt3A_240 : vector<16xf32>
          %reduce_or3A_242 = arith.constant 1.000000e+00 : f32
          %reduce_or3A_243 = arith.constant 0.000000e+00 : f32
          %reduce_or3A_244 = vector.broadcast %reduce_or3A_242 : f32 to vector<16xf32>
          %reduce_or3A_245 = vector.broadcast %reduce_or3A_243 : f32 to vector<16xf32>
          %reduce_or3A_246 = arith.select %gt3A_241, %reduce_or3A_244, %reduce_or3A_245 : vector<16xi1>, vector<16xf32>
          %reduce_or3A_247 = arith.constant true
          %reduce_or3A_248 = vector.broadcast %reduce_or3A_247 : i1 to vector<16xi1>
          %reduce_or3A_249 = tpu.scan <max>, %reduce_or3A_246 masked %reduce_or3A_248 : vector<16xf32>, vector<16xi1> -> vector<16xf32>
          %reduce_or3A_250 = vector.extract %reduce_or3A_249[15] : f32 from vector<16xf32>
          %reduce_or3A_251 = arith.constant 0.000000e+00 : f32
          %reduce_or3A_252 = arith.cmpf ogt, %reduce_or3A_250, %reduce_or3A_251 : f32
          %convert_element_type3A_253 = arith.extui %reduce_or3A_252 : i1 to i32
          %cond3A_254 = arith.constant 0 : i32
          %cond3A_255 = arith.cmpi ne, %convert_element_type3A_253, %cond3A_254 : i32
          %cond3A_256 = scf.if %cond3A_255 -> (vector<16xf32>) {
            %sort3A = arith.constant dense<true> : vector<16xi1>
            %sort3A_295, %sort3A_296, %sort3A_297 = tpu.sort %get3A_72, %get3A_72 masked %sort3A : (vector<16xf32>, vector<16xf32>, vector<16xi1>) -> (vector<16xi1>, vector<16xf32>, vector<16xf32>)
            %rev3A = arith.constant 15 : i32
            %rev3A_298 = vector.broadcast %rev3A : i32 to vector<16xi32>
            %rev3A_299 = tpu.iota {dimensions = array<i32: 0>} : vector<16xi32>
            %rev3A_300 = arith.subi %rev3A_298, %rev3A_299 : vector<16xi32>
            %rev3A_301 = tpu.dynamic_gather %sort3A_296[%rev3A_300] in [0] : vector<16xf32>, vector<16xi32> -> vector<16xf32>
            %max3A_302 = arith.maximumf %cond3A_237, %rev3A_301 : vector<16xf32>
            %sort3A_303 = arith.constant dense<true> : vector<16xi1>
            %sort3A_304, %sort3A_305, %sort3A_306 = tpu.sort %max3A_302, %max3A_302 masked %sort3A_303 : (vector<16xf32>, vector<16xf32>, vector<16xi1>) -> (vector<16xi1>, vector<16xf32>, vector<16xf32>)
            scf.yield %sort3A_305 : vector<16xf32>
          } else {
            scf.yield %cond3A_237 : vector<16xf32>
          }
          %slice3A_257 = vector.extract_strided_slice %cond3A_256 {offsets = [6], sizes = [1], strides = [1]} : vector<16xf32> to vector<1xf32>
          %squeeze3A_258 = vector.extract %slice3A_257[0] : f32 from vector<1xf32>
          %gt3A_259 = vector.broadcast %squeeze3A_258 : f32 to vector<16xf32>
          %gt3A_260 = arith.cmpf ogt, %get3A_76, %gt3A_259 : vector<16xf32>
          %reduce_or3A_261 = arith.constant 1.000000e+00 : f32
          %reduce_or3A_262 = arith.constant 0.000000e+00 : f32
          %reduce_or3A_263 = vector.broadcast %reduce_or3A_261 : f32 to vector<16xf32>
          %reduce_or3A_264 = vector.broadcast %reduce_or3A_262 : f32 to vector<16xf32>
          %reduce_or3A_265 = arith.select %gt3A_260, %reduce_or3A_263, %reduce_or3A_264 : vector<16xi1>, vector<16xf32>
          %reduce_or3A_266 = arith.constant true
          %reduce_or3A_267 = vector.broadcast %reduce_or3A_266 : i1 to vector<16xi1>
          %reduce_or3A_268 = tpu.scan <max>, %reduce_or3A_265 masked %reduce_or3A_267 : vector<16xf32>, vector<16xi1> -> vector<16xf32>
          %reduce_or3A_269 = vector.extract %reduce_or3A_268[15] : f32 from vector<16xf32>
          %reduce_or3A_270 = arith.constant 0.000000e+00 : f32
          %reduce_or3A_271 = arith.cmpf ogt, %reduce_or3A_269, %reduce_or3A_270 : f32
          %convert_element_type3A_272 = arith.extui %reduce_or3A_271 : i1 to i32
          %cond3A_273 = arith.constant 0 : i32
          %cond3A_274 = arith.cmpi ne, %convert_element_type3A_272, %cond3A_273 : i32
          %cond3A_275 = scf.if %cond3A_274 -> (vector<16xf32>) {
            %sort3A = arith.constant dense<true> : vector<16xi1>
            %sort3A_295, %sort3A_296, %sort3A_297 = tpu.sort %get3A_76, %get3A_76 masked %sort3A : (vector<16xf32>, vector<16xf32>, vector<16xi1>) -> (vector<16xi1>, vector<16xf32>, vector<16xf32>)
            %rev3A = arith.constant 15 : i32
            %rev3A_298 = vector.broadcast %rev3A : i32 to vector<16xi32>
            %rev3A_299 = tpu.iota {dimensions = array<i32: 0>} : vector<16xi32>
            %rev3A_300 = arith.subi %rev3A_298, %rev3A_299 : vector<16xi32>
            %rev3A_301 = tpu.dynamic_gather %sort3A_296[%rev3A_300] in [0] : vector<16xf32>, vector<16xi32> -> vector<16xf32>
            %max3A_302 = arith.maximumf %cond3A_256, %rev3A_301 : vector<16xf32>
            %sort3A_303 = arith.constant dense<true> : vector<16xi1>
            %sort3A_304, %sort3A_305, %sort3A_306 = tpu.sort %max3A_302, %max3A_302 masked %sort3A_303 : (vector<16xf32>, vector<16xf32>, vector<16xi1>) -> (vector<16xi1>, vector<16xf32>, vector<16xf32>)
            scf.yield %sort3A_305 : vector<16xf32>
          } else {
            scf.yield %cond3A_256 : vector<16xf32>
          }
          %slice3A_276 = vector.extract_strided_slice %cond3A_275 {offsets = [6], sizes = [1], strides = [1]} : vector<16xf32> to vector<1xf32>
          %squeeze3A_277 = vector.extract %slice3A_276[0] : f32 from vector<1xf32>
          %gt3A_278 = vector.broadcast %squeeze3A_277 : f32 to vector<16xf32>
          %gt3A_279 = arith.cmpf ogt, %get3A_80, %gt3A_278 : vector<16xf32>
          %reduce_or3A_280 = arith.constant 1.000000e+00 : f32
          %reduce_or3A_281 = arith.constant 0.000000e+00 : f32
          %reduce_or3A_282 = vector.broadcast %reduce_or3A_280 : f32 to vector<16xf32>
          %reduce_or3A_283 = vector.broadcast %reduce_or3A_281 : f32 to vector<16xf32>
          %reduce_or3A_284 = arith.select %gt3A_279, %reduce_or3A_282, %reduce_or3A_283 : vector<16xi1>, vector<16xf32>
          %reduce_or3A_285 = arith.constant true
          %reduce_or3A_286 = vector.broadcast %reduce_or3A_285 : i1 to vector<16xi1>
          %reduce_or3A_287 = tpu.scan <max>, %reduce_or3A_284 masked %reduce_or3A_286 : vector<16xf32>, vector<16xi1> -> vector<16xf32>
          %reduce_or3A_288 = vector.extract %reduce_or3A_287[15] : f32 from vector<16xf32>
          %reduce_or3A_289 = arith.constant 0.000000e+00 : f32
          %reduce_or3A_290 = arith.cmpf ogt, %reduce_or3A_288, %reduce_or3A_289 : f32
          %convert_element_type3A_291 = arith.extui %reduce_or3A_290 : i1 to i32
          %cond3A_292 = arith.constant 0 : i32
          %cond3A_293 = arith.cmpi ne, %convert_element_type3A_291, %cond3A_292 : i32
          %cond3A_294 = scf.if %cond3A_293 -> (vector<16xf32>) {
            %sort3A = arith.constant dense<true> : vector<16xi1>
            %sort3A_295, %sort3A_296, %sort3A_297 = tpu.sort %get3A_80, %get3A_80 masked %sort3A : (vector<16xf32>, vector<16xf32>, vector<16xi1>) -> (vector<16xi1>, vector<16xf32>, vector<16xf32>)
            %rev3A = arith.constant 15 : i32
            %rev3A_298 = vector.broadcast %rev3A : i32 to vector<16xi32>
            %rev3A_299 = tpu.iota {dimensions = array<i32: 0>} : vector<16xi32>
            %rev3A_300 = arith.subi %rev3A_298, %rev3A_299 : vector<16xi32>
            %rev3A_301 = tpu.dynamic_gather %sort3A_296[%rev3A_300] in [0] : vector<16xf32>, vector<16xi32> -> vector<16xf32>
            %max3A_302 = arith.maximumf %cond3A_275, %rev3A_301 : vector<16xf32>
            %sort3A_303 = arith.constant dense<true> : vector<16xi1>
            %sort3A_304, %sort3A_305, %sort3A_306 = tpu.sort %max3A_302, %max3A_302 masked %sort3A_303 : (vector<16xf32>, vector<16xf32>, vector<16xi1>) -> (vector<16xi1>, vector<16xf32>, vector<16xf32>)
            scf.yield %sort3A_305 : vector<16xf32>
          } else {
            scf.yield %cond3A_275 : vector<16xf32>
          }
          scf.yield %cond3A_294 : vector<16xf32>
        } else {
          scf.yield %scan3A_38 : vector<16xf32>
        }
        scf.yield %cond3A_104 : vector<16xf32>
      }
      %scan3A_26 = arith.constant 625 : i32
      %mul3A_27 = arith.mulf %scan3A_25, %convert_element_type3A_3 : vector<16xf32>
      %reduce_sum3A = arith.constant true
      %reduce_sum3A_28 = vector.broadcast %reduce_sum3A : i1 to vector<16xi1>
      %reduce_sum3A_29 = tpu.scan <sum>, %mul3A_27 masked %reduce_sum3A_28 : vector<16xf32>, vector<16xi1> -> vector<16xf32>
      %reduce_sum3A_30 = vector.extract %reduce_sum3A_29[15] : f32 from vector<16xf32>
      %slice3A_31 = vector.extract_strided_slice %scan3A_25 {offsets = [15], sizes = [1], strides = [1]} : vector<16xf32> to vector<1xf32>
      %squeeze3A_32 = vector.extract %slice3A_31[0] : f32 from vector<1xf32>
      %sub3A = arith.subf %reduce_sum3A_30, %squeeze3A_32 : f32
      %mul3A_33 = arith.constant 0.111111112 : f32
      %mul3A_34 = arith.mulf %sub3A, %mul3A_33 : f32
      %sub3A_35 = arith.subf %squeeze3A, %mul3A_34 : f32
      %add3A_36 = arith.addf %scan3A_14, %sub3A_35 : f32
      scf.yield %add3A_36 : f32
    }
    %scan3A_9 = arith.constant 4 : i32
    %broadcast_in_dim3A = vector.broadcast %scan3A_8 : f32 to vector<16xf32>
    %swap3A = arith.constant 0 : index
    %swap3A_10 = tpu.vector_load %arg5[%swap3A] {strides = array<i32>} : memref<16xf32, #tpu.memory_space<vmem>>, vector<16xf32>,
    tpu.vector_store %arg5[%swap3A], %broadcast_in_dim3A {strides = array<i32>} : memref<16xf32, #tpu.memory_space<vmem>>, vector<16xf32>,
    %mul3A_11 = arith.constant 16 : i32
    %mul3A_12 = arith.muli %add3A, %mul3A_11 : i32
    "tpu.region"() ({
      %run_scoped3A = tpu.sem_alloc : memref<!tpu.dma_semaphore, #tpu.memory_space<semaphore_mem>>
      %dma_start3A = tpu.memref_slice %arg3[%mul3A_12] : memref<512xf32, #tpu.memory_space<hbm>> -> memref<16xf32, #tpu.memory_space<hbm>>
      %dma_start3A_13 = tpu.memref_slice %arg3[%mul3A_12] : memref<512xf32, #tpu.memory_space<hbm>> -> memref<16xf32, #tpu.memory_space<hbm>>
      tpu.enqueue_dma source(%arg5 : memref<16xf32, #tpu.memory_space<vmem>>) target(%dma_start3A_13 : memref<16xf32, #tpu.memory_space<hbm>>) target_semaphore(%run_scoped3A : memref<!tpu.dma_semaphore, #tpu.memory_space<semaphore_mem>>)
      %dma_wait3A = tpu.memref_slice %arg3[%mul3A_12] : memref<512xf32, #tpu.memory_space<hbm>> -> memref<16xf32, #tpu.memory_space<hbm>>
      %dma_wait3A_14 = tpu.memref_slice %arg3[%mul3A_12] : memref<512xf32, #tpu.memory_space<hbm>> -> memref<16xf32, #tpu.memory_space<hbm>>
      tpu.wait_dma2 semaphore(%run_scoped3A : memref<!tpu.dma_semaphore, #tpu.memory_space<semaphore_mem>>) src(%arg5 : memref<16xf32, #tpu.memory_space<vmem>>) dst(%dma_wait3A_14 : memref<16xf32, #tpu.memory_space<hbm>>)
      tpu.yield
    }) : () -> ()
    return
  }
}

module attributes {stable_mosaic.version = 14 : i64} {
  func.func @fk(%arg0: memref<32x16xf32, #tpu.memory_space<vmem>>, %arg1: memref<1x1xf32, #tpu.memory_space<smem>>) attributes {dimension_semantics = [], scalar_prefetch = 0 : i64, scratch_operands = 0 : i64, tpu.core_type = #tpu.core_type<tc>} {
    %get3A = arith.constant 0 : index
    %get3A_0 = arith.constant 0 : index
    %get3A_1 = vector.load %arg0[%get3A, %get3A_0] : memref<32x16xf32, #tpu.memory_space<vmem>>, vector<32x1xf32>
    %reduce_sum3A = vector.shape_cast %get3A_1 : vector<32x1xf32> to vector<1x32x1xf32>
    %reduce_sum3A_2 = arith.constant dense<0.000000e+00> : vector<1xf32>
    %reduce_sum3A_3 = vector.multi_reduction <add>, %reduce_sum3A, %reduce_sum3A_2 [1, 2] : vector<1x32x1xf32> to vector<1xf32>
    %reduce_sum3A_4 = vector.shape_cast %reduce_sum3A_3 : vector<1xf32> to vector<1x1x1xf32>
    %reduce_sum3A_5 = vector.extract %reduce_sum3A_4[0, 0, 0] : f32 from vector<1x1x1xf32>
    %div3A = arith.constant 1.280000e+02 : f32
    %div3A_6 = arith.divf %reduce_sum3A_5, %div3A : f32
    %swap3A = arith.constant 0 : index
    %swap3A_7 = arith.constant 0 : index
    %swap3A_8 = memref.load %arg1[%swap3A, %swap3A_7] : memref<1x1xf32, #tpu.memory_space<smem>>
    memref.store %div3A_6, %arg1[%swap3A, %swap3A_7] : memref<1x1xf32, #tpu.memory_space<smem>>
    return
  }
}

</mosaic_0001>

<sc_bundles>
// kernel: kernel.4.cloned.1.call-start
scs
__scs_entry_jumppad:
0x0: {  	(pc) =	sbr.rel $0x88, $3  }
0x1: {  	(tag) =	ssettag $0x0;
	lr =	simm.s32 $0x1  }
0x2: {  	[smem:$0x3FA0] =	sst lr;
	_ =	strace $0xD0000000  }
0x3: {  	_ = 	snop  }
0x4: {  	_ = 	snop  }
0x5: {  	_ = 	snop  }
0x6: {  	_ = 	snop  }
0x7: {  	_ = 	snop  }
__scs_overlays_trampoline_lowered:
0x8: {  	[smem:$0x3FAF] =	sst s0  }
0x9: {  	[smem:$0x3FB0] =	sst s1  }
0xa: {  	[smem:$0x3FB1] =	sst s2  }
0xb: {  	[smem:$0x3FB2] =	sst s3  }
0xc: {  	[smem:$0x3FB3] =	sst s4  }
0xd: {  	[smem:$0x3FB4] =	sst s5  }
0xe: {  	[smem:$0x3FB5] =	sst s6  }
0xf: {  	[smem:$0x3FB6] =	sst s7  }
0x10: {  	[smem:$0x3FB7] =	sst s8  }
0x11: {  	[smem:$0x3FB8] =	sst s9;
	s0 =	simm.s32 @!p0 $0x0  }
0x12: {  	s1 =	sld [smem:$0x3F9E];
	s0 =	simm.s32 @p0 $0x1  }
0x13: {  	[smem:$0x3FB9] =	sst s0;
	s0 =	simm.s32 @!p1 $0x0  }
0x14: {  	s2 =	sld [smem:$0x3F9D];
	s0 =	simm.s32 @p1 $0x1  }
0x15: {  	[smem:$0x3FBA] =	sst s0;
	s0 =	simm.s32 @!p2 $0x0  }
0x16: {  	s3 =	sld [smem:$0x3FDB];
	s0 =	simm.s32 @p2 $0x1  }
0x17: {  	s4 =	simm.s32 $0x1BF5;
	[smem:$0x3FBC] =	sst s0  }
0x18: {  	s0 =	sld [smem:$0x3F9F];
	_ =	swait.ge [sflag:s4], $0x0  }
0x19: {  	s7 =	sld [smem:$0x3FA0]  }
0x1a: {  	s8 =	sadd.s32 $0xFFFFE003, lr  }
0x1b: {  	s9 =	sadd.s32 $0xFFFFFEF7, lr;
	s5 =	simm.s32 $0xFFFFFFFF;
	p2 =	slt.u32 s8, $0xFFFFF086  }
0x1c: {  	p1 =	slt.u32 s9, $0xF7A;
	s5 =	simm.s32 @!p2 $0x0  }
0x1d: {  	s5 =	simm.s32 @p1 $0x1;
	p0 =	seq.s32 s7, s2  }
0x1e: {  	s7 =	smul.u32 @!p0 $0xF7A, s2;
	p2 =	seq.s32 @!p0 s5, $0x0  }
0x1f: {  	s9 =	smul.u32 $0xF7A, s1;
	s8 =	simm.s32 @!p0 $0x1BF5;
	p2 =	por !p2, p0  }
0x20: {  	[sflag:s8] =	ssyncset.s32 @!p0 $0xFFFFF086;
	s6 =	sadd.s32 @!p0 s3, s7;
	s7 =	simm.s32 @!p0 $0x108  }
0x21: {  	s3 =	sadd.s32 s3, s9;
	s6 =	sadd.s32 @!p0 $0x88, s6;
	s7 =	simm.s32 @p2 $0x1082  }
0x22: {  	[simem:s7], [sflag:s8] =	dma.local @!p0 [hbm:s6], $0xF7A  }
0x23: {  	s9 =	sor.u32 $0xD0000000, s2;
	s6 =	simm.s32 $0x108;
	_ =	swait.ge @!p0 [sflag:s8], $0x0  }
0x24: {  	s3 =	sadd.s32 $0x88, s3;
	s6 =	simm.s32 @!p1 $0x1082;
	[sflag:s4] =	ssyncset.s32 $0xFFFFF086  }
0x25: {  	[simem:s6], [sflag:s4] =	dma.local [hbm:s3], $0xF7A  }
0x26: {  	[smem:$0x3FA0] =	sst s1;
	(tag) =	ssettag s2;
	_ =	strace s9  }
0x27: {  	s1 =	sld [smem:$0x3FB0]  }
0x28: {  	s2 =	sld [smem:$0x3FB1]  }
0x29: {  	s4 =	sld [smem:$0x3FB3]  }
0x2a: {  	p0 =	seq.s32 s5, $0x0;
	s5 =	sld [smem:$0x3FB4]  }
0x2b: {  	s6 =	sld [smem:$0x3FB5]  }
0x2c: {  	s7 =	sld [smem:$0x3FB6]  }
0x2d: {  	s3 =	simm.s32 $0x108;
	s8 =	sld [smem:$0x3FB7]  }
0x2e: {  	s3 =	simm.s32 @!p0 $0x1082;
	s9 =	sld [smem:$0x3FB8]  }
0x2f: {  	lr =	sadd.s32 s0, s3;
	s0 =	sld [smem:$0x3FAF]  }
0x30: {  	s3 =	sld [smem:$0x3FB2]  }
0x31: {  	[smem:$0x3FBB] =	sst s10  }
0x32: {  	s10 =	sld [smem:$0x3FB9];
	_ =	sdelay $0x3  }
0x33: {  	p0 =	seq.s32 s10, $0x1;
	s10 =	sld [smem:$0x3FBB];
	_ =	sdelay $0x3  }
0x34: {  	[smem:$0x3FBB] =	sst s10  }
0x35: {  	s10 =	sld [smem:$0x3FBA];
	_ =	sdelay $0x3  }
0x36: {  	p1 =	seq.s32 s10, $0x1;
	s10 =	sld [smem:$0x3FBB];
	_ =	sdelay $0x3  }
0x37: {  	[smem:$0x3FBB] =	sst s10  }
0x38: {  	s10 =	sld [smem:$0x3FBC]  }
0x39: {  	_ = 	snop;
	(pc) =	sbr.ind lr, $3  }
0x3a: {  	_ = 	snop  }
0x3b: {  	_ = 	snop  }
0x3c: {  	p2 =	seq.s32 s10, $0x1;
	s10 =	sld [smem:$0x3FBB]  }
0x3d: {  	_ =	shalt  }
0x3e: {  	_ =	shalt  }
0x3f: {  	_ =	shalt  }
0x40: {  	_ =	shalt  }
0x41: {  	_ =	shalt  }
0x42: {  	_ =	shalt  }
0x43: {  	_ =	shalt  }
0x44: {  	_ =	shalt  }
0x45: {  	_ =	shalt  }
0x46: {  	_ =	shalt  }
0x47: {  	_ =	shalt  }
0x48: {  	_ =	shalt  }
0x49: {  	_ =	shalt  }
0x4a: {  	_ =	shalt  }
0x4b: {  	_ =	shalt  }
0x4c: {  	_ =	shalt  }
0x4d: {  	_ =	shalt  }
0x4e: {  	_ =	shalt  }
0x4f: {  	_ =	shalt  }
0x50: {  	_ =	shalt  }
0x51: {  	_ =	shalt  }
0x52: {  	_ =	shalt  }
0x53: {  	_ =	shalt  }
0x54: {  	_ =	shalt  }
0x55: {  	_ =	shalt  }
0x56: {  	_ =	shalt  }
0x57: {  	_ =	shalt  }
0x58: {  	_ =	shalt  }
0x59: {  	_ =	shalt  }
0x5a: {  	_ =	shalt  }
0x5b: {  	_ =	shalt  }
0x5c: {  	_ =	shalt  }
0x5d: {  	_ =	shalt  }
0x5e: {  	_ =	shalt  }
0x5f: {  	_ =	shalt  }
0x60: {  	_ =	shalt  }
0x61: {  	_ =	shalt  }
0x62: {  	_ =	shalt  }
0x63: {  	_ =	shalt  }
0x64: {  	_ =	shalt  }
0x65: {  	_ =	shalt  }
0x66: {  	_ =	shalt  }
0x67: {  	_ =	shalt  }
0x68: {  	_ =	shalt  }
0x69: {  	_ =	shalt  }
0x6a: {  	_ =	shalt  }
0x6b: {  	_ =	shalt  }
0x6c: {  	_ =	shalt  }
0x6d: {  	_ =	shalt  }
0x6e: {  	_ =	shalt  }
0x6f: {  	_ =	shalt  }
0x70: {  	_ =	shalt  }
0x71: {  	_ =	shalt  }
0x72: {  	_ =	shalt  }
0x73: {  	_ =	shalt  }
0x74: {  	_ =	shalt  }
0x75: {  	_ =	shalt  }
0x76: {  	_ =	shalt  }
0x77: {  	_ =	shalt  }
0x78: {  	_ =	shalt  }
0x79: {  	_ =	shalt  }
0x7a: {  	_ =	shalt  }
0x7b: {  	_ =	shalt  }
0x7c: {  	_ =	shalt  }
0x7d: {  	_ =	shalt  }
0x7e: {  	_ =	shalt  }
0x7f: {  	_ =	shalt  }
0x80: {  	_ =	shalt  }
0x81: {  	_ =	shalt  }
0x82: {  	_ =	shalt  }
0x83: {  	_ =	shalt  }
0x84: {  	_ =	shalt  }
0x85: {  	_ =	shalt  }
0x86: {  	_ =	shalt  }
0x87: {  	_ =	shalt  }
.Lfunc_end0:
.L_simem_size_0:
called_computation_lowered:
.L_overlay_start_0:
0x88: {  	s2 =	sld [smem:$0x3FD9]  }
0x89: {  	s3 =	sld [smem:$0x3FFE];
	_ =	sdelay $0x1  }
0x8a: {  	s1 =	srdreg.scid  }
0x8b: {  	s0 =	sand.u32 $0x1, s1  }
0x8c: {  	s16 =	sshll.u32 s0, $0xA;
	s2 =	sadd.s32 s3, s2  }
0x8d: {  	s2 =	sadd.s32 s2, s16  }
0x8e: {  	[smem:$0x3FC7] =	sst s2  }
0x8f: {  	_ = 	snop  }
0x90: {  	(tm) =	ssettm $0x1  }
0x91: {  	s17 =	sld [smem:$0x3FFB];
	_ =	sdelay $0x3  }
0x92: {  	_ =	strace s17  }
0x93: {  	s2 =	sld [smem:$0x3FFC];
	_ =	sdelay $0x3  }
0x94: {  	_ =	strace s2  }
0x95: {  	s2 =	sld [smem:$0x3FFD];
	_ =	sdelay $0x3  }
0x96: {  	_ =	strace s2  }
0x97: {  	_ =	strace $0x8FFFFFFF  }
0x98: {  	s18 =	sld [smem:$0x3FDB];
	_ =	sdelay $0x1  }
0x99: {  	s19 =	simm.s32 $_scs_section_size  }
0x9a: {  	s4 =	simm.s32 $_size__tile_overlayer_lowered;
	s5 =	simm.s32 $_tile_overlayer_lowered  }
0x9b: {  	s22 =	simm.s32 $0x1BFF;
	s21 =	sshll.u32 s5, $0x1;
	s2 =	sadd.s32 s19, s18  }
0x9c: {  	s6 =	simm.s32 $0x0;
	s20 =	sshll.u32 s4, $0x1;
	s4 =	sadd.s32 s21, s2  }
0x9d: {  	[timem:s6], [sflag:s22] =	dma.local [hbm:s4], s20  }
0x9e: {  	_ =	swait.ge [sflag:s22], s20  }
0x9f: {  	s3 =	ssub.s32 $0x0, s20;
	[sflag:s22] =	ssyncset.done $0x0  }
0xa0: {  	[sflag:s22] =	ssyncadd.s32 s3;
	_ =	sdelay $0x1  }
0xa1: {  	s23 =	simm.s32 $0x1B8B  }
0xa2: {  	_ =	swait.ge [sflag:s23], $0x1  }
0xa3: {  	[sflag:s23] =	ssyncset.done $0x0  }
0xa4: {  	s25 =	simm.s32 $0x1B8E;
	s24 =	sld [smem:$0x3FFE];
	[sflag:s23] =	ssyncadd.s32 $0xFFFFFFFF  }
0xa5: {  	s26 =	simm.s32 $execute0_lowered;
	[smem:$0x3FD2] =	sst s25  }
0xa6: {  	s4 =	sshll.u32 s26, $0x1;
	_ =	strace $0x80000046;
	[dreg:$0x1] =	wrdreg $0xFFFFFFFF  }
0xa7: {  	s28 =	simm.s32 $_size_execute0_lowered;
	s2 =	sadd.s32 s2, s4;
	[dreg:$0x0] =	wrdreg $0x0  }
0xa8: {  	s4 =	sshll.u32 s28, $0x1;
	[dreg:$0x2] =	wrdreg s2  }
0xa9: {  	[dreg:$0x3] =	wrdreg s4  }
0xaa: {  	[dreg:$0x4] =	wrdreg $0xC0  }
0xab: {  	_ =	task [dreg:s6], $0x5FFFF  }
0xac: {  	[dreg:$0x1] =	wrdreg $0xFFFFFFFF  }
0xad: {  	[dreg:$0x0] =	wrdreg $0x60  }
0xae: {  	[dreg:$0x2] =	wrdreg s24  }
0xaf: {  	[dreg:$0x3] =	wrdreg $0x9  }
0xb0: {  	_ =	task.clear_ibuf [dreg:s6], $0x4FFFF;
	_ =	strace $0x90000046  }
0xb1: {  	s29 =	simm.s32 $0x9;
	_ =	strace $0x80000048  }
0xb2: {  	_ =	swait.ge [sflag:s29], $0x1  }
0xb3: {  	[sflag:s29] =	ssyncadd.s32 $0xFFFFFFFF  }
0xb4: {  	_ =	strace $0x90000048  }
0xb5: {  	_ =	sfence  }
0xb6: {  	s30 =	sld [smem:$0x0];
	_ =	sdelay $0x2  }
0xb7: {  	s31 =	sshll.u32 s1, $0xD;
	s1 =	sshrl.u32 s1, $0x2  }
0xb8: {  	s3 =	sand.u32 $0x4000, s31;
	s1 =	sadd.s32 s1, s30  }
0xb9: {  	s0 =	sor.u32 s3, s0;
	s1 =	sshll.u32 s1, $0x11  }
0xba: {  	s0 =	sor.u32 s1, s0  }
0xbb: {  	s0 =	sadd.s32 $0x8F2B, s0  }
0xbc: {  	[sflag:s0] =	ssyncadd.remote.s32 $0x1  }
0xbd: {  	_ =	sfence.sel $0xFFFF  }
0xbe: {  	[dreg:$0x0] =	wrdreg $0xFFFFFFFF;
	(pc) =	sbr.abs _section_cstart, $3  }
0xbf: {  	[dreg:$0x1] =	wrdreg $0xFFFFFFFF  }
0xc0: {  	_ =	task.clear_ibuf [dreg:s6], $0x2FFFF;
	_ =	strace $0x9FFFFFFF  }
0xc1: {  	(tm) =	ssettm $0x7FFFFFFF  }
tec
execute0_lowered:
.L_overlay_start_1:
0x0: {  	(tag) =	ssettag $0x1  }
0x1: {  	s4 =	rddreg [dreg:$0x0];
	s1 =	srdreg.scid  }
0x2: {  	s0 =	rddreg [dreg:$0x1];
	s2 =	simm.s32 $0x0;
	s10 =	simm.s32 $0x18700  }
0x3: {  	s11 =	simm.s32 $0x0;
	s5 =	sand.u32 $0x1, s1;
	[smem:$0x7FF] =	sst s2  }
0x4: {  	s1 =	stileid.u32;
	s3 =	sshll.u32 s5, $0x4;
	_ =	strace $0x80000047  }
0x5: {  	s5 =	ssub.s32 $0x2, s5;
	s8 =	sshll.u32 s1, $0x9;
	s6 =	sor.u32 s1, s3  }
.Ltmp0:
0x6: {  	s7 =	sshll.u32 s6, $0x1;
	s6 =	sshrl.u32 s6, $0x1;
	(pc) =	sbr.rel .LBB2_1-.Ltmp0, $4  }
0x7: {  	s3 =	sadd.s32 $0x400, s4;
	s31 =	sshrl.u32 s5, $0x1;
	s6 =	smul.u32 $0xC3800, s6  }
0x8: {  	s8 =	sand.u32 $0x200, s8;
	s9 =	ssub.s32 s5, s31;
	s7 =	sadd.s32 s7, s4  }
0x9: {  	v1 =	vimm.f32 $1.000000000e+00;
	vm0 =	vcmask $0x1700;
	s5 =	sadd.s32 $0x187400, s7;
	s7 =	simm.s32 $0x80;
	s4 =	sor.u32 s6, s8  }
0xa: {  	v0 =	vimm.f32 $0.0e+00;
	v1 =	vsel vm0, $0x0, v1;
	s6 =	smax.u32 s9, $0x1;
	s8 =	simm.s32 $0x400;
	s9 =	simm.s32 $0x1  }
.LBB2_7:
0xb: {  	s11 =	sadd.s32 $0x1, s11  }
0xc: {  	v2 =	vmov s12;
	p0 =	sne.s32 s11, s6  }
.Ltmp1:
0xd: {  	[tilespmem:$0x18700] =	vst v2;
	(pc) =	sbr.rel @!p0 .LBB2_8-.Ltmp1, $4  }
0xe: {  	[hbm4b:s5+s2] =	stream.linear.scatter [tilespmem:s10], [sflag:$0x1], $0x10, $0x38;
	[tilespmem:$0x18780] =	vst v63  }
0xf: {  	_ =	swait.ge [sflag:s9], $0x10  }
0x10: {  	[sflag:s9] =	ssyncset.done $0x0  }
0x11: {  	[sflag:s9] =	ssyncadd.s32 $0xFFFFFFF0  }
.LBB2_1:
.Ltmp2:
0x12: {  	(pc) =	sbr.rel .LBB2_2-.Ltmp2, $2  }
0x13: {  	_ =	sdelay $0x2  }
0x14: {  	s12 =	simm.f32 $0.0e+00;
	s13 =	simm.s32 $0x0  }
.LBB2_6:
0x15: {  	v3 =	vmul.f32 v1, v10;
	_ =	sdelay $0x1  }
0x16: {  	(xrf2) =	vadd.scan.msk.f32 $0xffff, v3;
	_ =	sdelay $0x9  }
0x17: {  	(v2sf) =	vpush v2, $0x0;
	v2, _, _ =	vpop (xrf2)  }
0x18: {  	(v2sf) =	vpush v2, $0xF  }
0x19: {  	(v2sf) =	vpush v10, $0xF;
	_ =	sdelay $0xc  }
0x1a: {  	s14 =	spop (v2sf)  }
0x1b: {  	s15 =	spop (v2sf)  }
0x1c: {  	s16 =	spop (v2sf)  }
0x1d: {  	s15 =	ssub.f32 s15, s16  }
0x1e: {  	s13 =	sadd.s32 $0x1, s13  }
0x1f: {  	p0 =	sne.s32 s13, $0x4;
	s15 =	smul.f32 $-1.111111120e-01, s15  }
.Ltmp3:
0x20: {  	_ = 	snop;
	(pc) =	sbr.rel @!p0 .LBB2_7-.Ltmp3, $3  }
0x21: {  	_ = 	snop  }
0x22: {  	s14 =	sadd.f32 s15, s14;
	_ =	sdelay $0x1  }
0x23: {  	s12 =	sadd.f32 s14, s12  }
.LBB2_2:
0x24: {  	s14 =	sshll.u32 s13, $0x7  }
0x25: {  	s14 =	sadd.s32 s4, s14  }
0x26: {  	s14 =	sshrl.u32 s14, $0x3  }
0x27: {  	s15 =	sadd.s32 s3, s14;
	s14 =	simm.s32 $0x0  }
0x28: {  	[tilespmem:s14], [sflag:$0x1] =	stream.strided.gather [hbm4b:s15+s7], $0x18700, s8, s7, $0x38;
	[tilespmem:$0x18780] =	vst v63  }
.Ltmp4:
0x29: {  	_ = 	snop;
	(pc) =	sbr.rel .LBB2_3-.Ltmp4, $4  }
0x2a: {  	_ =	swait.ge [sflag:s9], $0x18700  }
0x2b: {  	[sflag:s9] =	ssyncset.done $0x0  }
0x2c: {  	[sflag:s9] =	ssyncadd.s32 $0xFFFE7900  }
0x2d: {  	v10 =	vimm.f32 $-Inf;
	s15 =	simm.s32 $0x50;
	v2 =	vld [tilespmem:$0x0]  }
.LBB2_5:
0x2e: {  	s14 =	sadd.s32 $0xA0, s14  }
0x2f: {  	p0 =	sne.s32 s14, $0x186A0  }
.Ltmp5:
0x30: {  	_ = 	snop;
	(pc) =	sbr.rel @!p0 .LBB2_6-.Ltmp5, $2  }
0x31: {  	_ =	sdelay $0x2  }
0x32: {  	s15 =	sadd.s32 $0xA0, s15  }
.LBB2_3:
0x33: {  	v13 =	vld [tilespmem:s15+$0xFFFFFFB0]  }
0x34: {  	v12 =	vld [tilespmem:s15+$0xFFFFFFC0]  }
0x35: {  	v11 =	vld [tilespmem:s15+$0xFFFFFFD0]  }
0x36: {  	v9 =	vld [tilespmem:s15+$0xFFFFFFE0]  }
0x37: {  	v8 =	vld [tilespmem:s15+$0xFFFFFFF0]  }
0x38: {  	v7 =	vld [tilespmem:s15+$0x0]  }
0x39: {  	v6 =	vld [tilespmem:s15+$0x10];
	v3 =	vmax.f32 v13, v12  }
0x3a: {  	v5 =	vld [tilespmem:s15+$0x20];
	s16 =	sand.u32 $0x3FFE0, s14;
	v3 =	vmax.f32 v3, v11  }
0x3b: {  	v4 =	vld [tilespmem:s16+$0x80];
	v14 =	vmax.f32 v3, v9  }
0x3c: {  	v3 =	vld [tilespmem:s15+$0x40];
	v14 =	vmax.f32 v14, v8  }
0x3d: {  	v14 =	vmax.f32 v14, v7  }
0x3e: {  	v14 =	vmax.f32 v14, v6  }
0x3f: {  	v14 =	vmax.f32 v14, v5  }
0x40: {  	v15 =	vmax.f32 v14, v4;
	v14 =	vbroadcast v10, $0x6  }
0x41: {  	v15 =	vmax.f32 v15, v3  }
0x42: {  	vm0 =	vgt.f32 v15, v14  }
0x43: {  	v15 =	vsel vm0, $0x3F800000, v0  }
0x44: {  	(xrf0) =	vmax.scan.msk.f32 $0xffff, v15;
	_ =	sdelay $0x5  }
0x45: {  	v15, _, _ =	vpop (xrf0)  }
0x46: {  	(v2sf) =	vpush v15, $0xF;
	_ =	sdelay $0xe  }
0x47: {  	s31 =	spop (v2sf)  }
0x48: {  	p0 =	sgt.f32 s31, $0.0e+00  }
.Ltmp6:
0x49: {  	_ = 	snop;
	(pc) =	sbr.rel @!p0 .LBB2_5-.Ltmp6, $1  }
0x4a: {  	_ =	sdelay $0x3  }
0x4b: {  	vm0 =	vgt.f32 v13, v14  }
0x4c: {  	v15 =	vsel vm0, $0x3F800000, v0  }
0x4d: {  	(xrf0) =	vmax.scan.msk.f32 $0xffff, v15;
	_ =	sdelay $0x5  }
0x4e: {  	v15, _, _ =	vpop (xrf0)  }
0x4f: {  	(v2sf) =	vpush v15, $0xF;
	_ =	sdelay $0xe  }
0x50: {  	s16 =	spop (v2sf)  }
0x51: {  	p1 =	sgt.f32 s16, $0.0e+00;
	_ =	sdelay $0x1  }
0x52: {  	(xrf1) =	vsort.ascd.msk.f32 @p1 $0xffff, v13, v13;
	_ =	sdelay $0xa  }
0x53: {  	v13 =	vlaneseq.u32 @p1  }
0x54: {  	v13 =	vmul.u32 @p1 $0xFFFFFFFF, v13;
	_ =	sdelay $0x1  }
0x55: {  	v13 =	vadd.s32 @p1 $0xF, v13;
	v15, _, _ =	vpop @p1 (xrf1)  }
0x56: {  	v13 =	vperm.xlane @p1 v15, v13;
	_ =	sdelay $0x1  }
0x57: {  	v13 =	vmax.f32 @p1 v10, v13  }
0x58: {  	(xrf1) =	vsort.ascd.msk.f32 @p1 $0xffff, v13, v13;
	_ =	sdelay $0xd  }
0x59: {  	v13, _, _ =	vpop @p1 (xrf1)  }
0x5a: {  	v15 =	vbroadcast @p1 v13, $0x6;
	_ =	sdelay $0x1  }
0x5b: {  	v59 =	vpsel p1, v15, v14  }
0x5c: {  	vm7 =	vgt.f32 v12, v59  }
0x5d: {  	v60 =	vsel vm7, $0x3F800000, v0  }
0x5e: {  	(xrf0) =	vmax.scan.msk.f32 $0xffff, v60;
	_ =	sdelay $0x5  }
0x5f: {  	v15, _, _ =	vpop (xrf0)  }
0x60: {  	(v2sf) =	vpush v15, $0xF;
	_ =	sdelay $0xe  }
0x61: {  	s22 =	spop (v2sf)  }
0x62: {  	p0 =	sgt.f32 s22, $0.0e+00;
	_ =	sdelay $0x1  }
0x63: {  	(xrf1) =	vsort.ascd.msk.f32 @p0 $0xffff, v12, v12;
	_ =	sdelay $0xa  }
0x64: {  	v12 =	vlaneseq.u32 @p0  }
0x65: {  	v12 =	vmul.u32 @p0 $0xFFFFFFFF, v12;
	_ =	sdelay $0x1  }
0x66: {  	v12 =	vadd.s32 @p0 $0xF, v12;
	v15, _, _ =	vpop @p0 (xrf1)  }
0x67: {  	v12 =	vperm.xlane @p0 v15, v12  }
0x68: {  	v10 =	vpsel p1, v13, v10  }
0x69: {  	v12 =	vmax.f32 @p0 v10, v12  }
0x6a: {  	(xrf1) =	vsort.ascd.msk.f32 @p0 $0xffff, v12, v12;
	_ =	sdelay $0xd  }
0x6b: {  	v12, _, _ =	vpop @p0 (xrf1)  }
0x6c: {  	v13 =	vbroadcast @p0 v12, $0x6;
	_ =	sdelay $0x1  }
0x6d: {  	v13 =	vpsel p0, v13, v59  }
0x6e: {  	vm8 =	vgt.f32 v11, v13  }
0x6f: {  	v61 =	vsel vm8, $0x3F800000, v0  }
0x70: {  	(xrf0) =	vmax.scan.msk.f32 $0xffff, v61;
	_ =	sdelay $0x5  }
0x71: {  	v14, _, _ =	vpop (xrf0)  }
0x72: {  	(v2sf) =	vpush v14, $0xF;
	_ =	sdelay $0xe  }
0x73: {  	s23 =	spop (v2sf)  }
0x74: {  	p1 =	sgt.f32 s23, $0.0e+00;
	_ =	sdelay $0x1  }
0x75: {  	(xrf1) =	vsort.ascd.msk.f32 @p1 $0xffff, v11, v11;
	_ =	sdelay $0xa  }
0x76: {  	v11 =	vlaneseq.u32 @p1  }
0x77: {  	v11 =	vmul.u32 @p1 $0xFFFFFFFF, v11;
	_ =	sdelay $0x1  }
0x78: {  	v11 =	vadd.s32 @p1 $0xF, v11;
	v14, _, _ =	vpop @p1 (xrf1)  }
0x79: {  	v11 =	vperm.xlane @p1 v14, v11  }
0x7a: {  	v10 =	vpsel p0, v12, v10  }
0x7b: {  	v11 =	vmax.f32 @p1 v10, v11  }
0x7c: {  	(xrf1) =	vsort.ascd.msk.f32 @p1 $0xffff, v11, v11;
	_ =	sdelay $0xd  }
0x7d: {  	v11, _, _ =	vpop @p1 (xrf1)  }
0x7e: {  	v12 =	vbroadcast @p1 v11, $0x6;
	_ =	sdelay $0x1  }
0x7f: {  	v12 =	vpsel p1, v12, v13  }
0x80: {  	vm9 =	vgt.f32 v9, v12  }
0x81: {  	v62 =	vsel vm9, $0x3F800000, v0  }
0x82: {  	(xrf0) =	vmax.scan.msk.f32 $0xffff, v62;
	_ =	sdelay $0x5  }
0x83: {  	v13, _, _ =	vpop (xrf0)  }
0x84: {  	(v2sf) =	vpush v13, $0xF;
	_ =	sdelay $0xe  }
0x85: {  	s24 =	spop (v2sf)  }
0x86: {  	p0 =	sgt.f32 s24, $0.0e+00;
	_ =	sdelay $0x1  }
0x87: {  	(xrf1) =	vsort.ascd.msk.f32 @p0 $0xffff, v9, v9;
	_ =	sdelay $0xa  }
0x88: {  	v9 =	vlaneseq.u32 @p0  }
0x89: {  	v9 =	vmul.u32 @p0 $0xFFFFFFFF, v9;
	_ =	sdelay $0x1  }
0x8a: {  	v9 =	vadd.s32 @p0 $0xF, v9;
	v13, _, _ =	vpop @p0 (xrf1)  }
0x8b: {  	v9 =	vperm.xlane @p0 v13, v9  }
0x8c: {  	v10 =	vpsel p1, v11, v10  }
0x8d: {  	v9 =	vmax.f32 @p0 v10, v9  }
0x8e: {  	(xrf1) =	vsort.ascd.msk.f32 @p0 $0xffff, v9, v9;
	_ =	sdelay $0xd  }
0x8f: {  	v9, _, _ =	vpop @p0 (xrf1)  }
0x90: {  	v11 =	vbroadcast @p0 v9, $0x6;
	_ =	sdelay $0x1  }
0x91: {  	v11 =	vpsel p0, v11, v12  }
0x92: {  	vm10 =	vgt.f32 v8, v11  }
0x93: {  	v63 =	vsel vm10, $0x3F800000, v0  }
0x94: {  	(xrf0) =	vmax.scan.msk.f32 $0xffff, v63;
	_ =	sdelay $0x5  }
0x95: {  	v12, _, _ =	vpop (xrf0)  }
0x96: {  	(v2sf) =	vpush v12, $0xF;
	_ =	sdelay $0xe  }
0x97: {  	s25 =	spop (v2sf)  }
0x98: {  	p1 =	sgt.f32 s25, $0.0e+00;
	_ =	sdelay $0x1  }
0x99: {  	(xrf1) =	vsort.ascd.msk.f32 @p1 $0xffff, v8, v8;
	_ =	sdelay $0xa  }
0x9a: {  	v8 =	vlaneseq.u32 @p1  }
0x9b: {  	v8 =	vmul.u32 @p1 $0xFFFFFFFF, v8;
	_ =	sdelay $0x1  }
0x9c: {  	v8 =	vadd.s32 @p1 $0xF, v8;
	v12, _, _ =	vpop @p1 (xrf1)  }
0x9d: {  	v8 =	vperm.xlane @p1 v12, v8  }
0x9e: {  	v9 =	vpsel p0, v9, v10  }
0x9f: {  	v8 =	vmax.f32 @p1 v9, v8  }
0xa0: {  	(xrf1) =	vsort.ascd.msk.f32 @p1 $0xffff, v8, v8;
	_ =	sdelay $0xd  }
0xa1: {  	v8, _, _ =	vpop @p1 (xrf1)  }
0xa2: {  	v10 =	vbroadcast @p1 v8, $0x6;
	_ =	sdelay $0x1  }
0xa3: {  	v10 =	vpsel p1, v10, v11  }
0xa4: {  	vm11 =	vgt.f32 v7, v10  }
0xa5: {  	v11 =	vsel vm11, $0x3F800000, v0  }
0xa6: {  	(xrf0) =	vmax.scan.msk.f32 $0xffff, v11;
	_ =	sdelay $0x5  }
0xa7: {  	v11, _, _ =	vpop (xrf0)  }
0xa8: {  	(v2sf) =	vpush v11, $0xF;
	_ =	sdelay $0xe  }
0xa9: {  	s26 =	spop (v2sf)  }
0xaa: {  	p0 =	sgt.f32 s26, $0.0e+00;
	_ =	sdelay $0x1  }
0xab: {  	(xrf1) =	vsort.ascd.msk.f32 @p0 $0xffff, v7, v7;
	_ =	sdelay $0xa  }
0xac: {  	v7 =	vlaneseq.u32 @p0  }
0xad: {  	v7 =	vmul.u32 @p0 $0xFFFFFFFF, v7;
	_ =	sdelay $0x1  }
0xae: {  	v7 =	vadd.s32 @p0 $0xF, v7;
	v11, _, _ =	vpop @p0 (xrf1)  }
0xaf: {  	v7 =	vperm.xlane @p0 v11, v7  }
0xb0: {  	v8 =	vpsel p1, v8, v9  }
0xb1: {  	v7 =	vmax.f32 @p0 v8, v7  }
0xb2: {  	(xrf1) =	vsort.ascd.msk.f32 @p0 $0xffff, v7, v7;
	_ =	sdelay $0xd  }
0xb3: {  	v7, _, _ =	vpop @p0 (xrf1)  }
0xb4: {  	v9 =	vbroadcast @p0 v7, $0x6;
	_ =	sdelay $0x1  }
0xb5: {  	v9 =	vpsel p0, v9, v10  }
0xb6: {  	vm12 =	vgt.f32 v6, v9  }
0xb7: {  	v10 =	vsel vm12, $0x3F800000, v0  }
0xb8: {  	(xrf0) =	vmax.scan.msk.f32 $0xffff, v10;
	_ =	sdelay $0x5  }
0xb9: {  	v10, _, _ =	vpop (xrf0)  }
0xba: {  	(v2sf) =	vpush v10, $0xF;
	_ =	sdelay $0xe  }
0xbb: {  	s28 =	spop (v2sf)  }
0xbc: {  	p1 =	sgt.f32 s28, $0.0e+00;
	_ =	sdelay $0x1  }
0xbd: {  	(xrf1) =	vsort.ascd.msk.f32 @p1 $0xffff, v6, v6;
	_ =	sdelay $0xa  }
0xbe: {  	v6 =	vlaneseq.u32 @p1  }
0xbf: {  	v6 =	vmul.u32 @p1 $0xFFFFFFFF, v6;
	_ =	sdelay $0x1  }
0xc0: {  	v6 =	vadd.s32 @p1 $0xF, v6;
	v10, _, _ =	vpop @p1 (xrf1)  }
0xc1: {  	v6 =	vperm.xlane @p1 v10, v6  }
0xc2: {  	v7 =	vpsel p0, v7, v8  }
0xc3: {  	v6 =	vmax.f32 @p1 v7, v6  }
0xc4: {  	(xrf1) =	vsort.ascd.msk.f32 @p1 $0xffff, v6, v6;
	_ =	sdelay $0xd  }
0xc5: {  	v6, _, _ =	vpop @p1 (xrf1)  }
0xc6: {  	v8 =	vbroadcast @p1 v6, $0x6;
	_ =	sdelay $0x1  }
0xc7: {  	v8 =	vpsel p1, v8, v9  }
0xc8: {  	vm13 =	vgt.f32 v5, v8  }
0xc9: {  	v9 =	vsel vm13, $0x3F800000, v0  }
0xca: {  	(xrf0) =	vmax.scan.msk.f32 $0xffff, v9;
	_ =	sdelay $0x5  }
0xcb: {  	v9, _, _ =	vpop (xrf0)  }
0xcc: {  	(v2sf) =	vpush v9, $0xF;
	_ =	sdelay $0xe  }
0xcd: {  	s29 =	spop (v2sf)  }
0xce: {  	p0 =	sgt.f32 s29, $0.0e+00;
	_ =	sdelay $0x1  }
0xcf: {  	(xrf1) =	vsort.ascd.msk.f32 @p0 $0xffff, v5, v5;
	_ =	sdelay $0xa  }
0xd0: {  	v5 =	vlaneseq.u32 @p0  }
0xd1: {  	v5 =	vmul.u32 @p0 $0xFFFFFFFF, v5;
	_ =	sdelay $0x1  }
0xd2: {  	v5 =	vadd.s32 @p0 $0xF, v5;
	v9, _, _ =	vpop @p0 (xrf1)  }
0xd3: {  	v5 =	vperm.xlane @p0 v9, v5  }
0xd4: {  	v6 =	vpsel p1, v6, v7  }
0xd5: {  	v5 =	vmax.f32 @p0 v6, v5  }
0xd6: {  	(xrf1) =	vsort.ascd.msk.f32 @p0 $0xffff, v5, v5;
	_ =	sdelay $0xd  }
0xd7: {  	v5, _, _ =	vpop @p0 (xrf1)  }
0xd8: {  	v7 =	vbroadcast @p0 v5, $0x6;
	_ =	sdelay $0x1  }
0xd9: {  	v7 =	vpsel p0, v7, v8  }
0xda: {  	vm14 =	vgt.f32 v4, v7  }
0xdb: {  	v8 =	vsel vm14, $0x3F800000, v0  }
0xdc: {  	(xrf0) =	vmax.scan.msk.f32 $0xffff, v8;
	_ =	sdelay $0x5  }
0xdd: {  	v8, _, _ =	vpop (xrf0)  }
0xde: {  	(v2sf) =	vpush v8, $0xF;
	_ =	sdelay $0xe  }
0xdf: {  	s30 =	spop (v2sf)  }
0xe0: {  	p1 =	sgt.f32 s30, $0.0e+00;
	_ =	sdelay $0x1  }
0xe1: {  	(xrf1) =	vsort.ascd.msk.f32 @p1 $0xffff, v4, v4;
	_ =	sdelay $0xa  }
0xe2: {  	v4 =	vlaneseq.u32 @p1  }
0xe3: {  	v4 =	vmul.u32 @p1 $0xFFFFFFFF, v4;
	_ =	sdelay $0x1  }
0xe4: {  	v4 =	vadd.s32 @p1 $0xF, v4;
	v8, _, _ =	vpop @p1 (xrf1)  }
0xe5: {  	v4 =	vperm.xlane @p1 v8, v4  }
0xe6: {  	v5 =	vpsel p0, v5, v6  }
0xe7: {  	v4 =	vmax.f32 @p1 v5, v4  }
0xe8: {  	(xrf1) =	vsort.ascd.msk.f32 @p1 $0xffff, v4, v4;
	_ =	sdelay $0xd  }
0xe9: {  	v4, _, _ =	vpop @p1 (xrf1)  }
0xea: {  	v6 =	vbroadcast @p1 v4, $0x6;
	_ =	sdelay $0x1  }
0xeb: {  	v6 =	vpsel p1, v6, v7  }
0xec: {  	vm15 =	vgt.f32 v3, v6  }
0xed: {  	v6 =	vsel vm15, $0x3F800000, v0  }
0xee: {  	(xrf0) =	vmax.scan.msk.f32 $0xffff, v6;
	_ =	sdelay $0x5  }
0xef: {  	v6, _, _ =	vpop (xrf0)  }
0xf0: {  	(v2sf) =	vpush v6, $0xF;
	_ =	sdelay $0xe  }
0xf1: {  	s31 =	spop (v2sf)  }
0xf2: {  	p0 =	sgt.f32 s31, $0.0e+00;
	_ =	sdelay $0x1  }
0xf3: {  	(xrf1) =	vsort.ascd.msk.f32 @p0 $0xffff, v3, v3;
	_ =	sdelay $0xa  }
0xf4: {  	v3 =	vlaneseq.u32 @p0  }
0xf5: {  	v3 =	vmul.u32 @p0 $0xFFFFFFFF, v3;
	_ =	sdelay $0x1  }
0xf6: {  	v3 =	vadd.s32 @p0 $0xF, v3;
	v6, _, _ =	vpop @p0 (xrf1)  }
0xf7: {  	v3 =	vperm.xlane @p0 v6, v3  }
0xf8: {  	v4 =	vpsel p1, v4, v5  }
0xf9: {  	v3 =	vmax.f32 @p0 v4, v3  }
0xfa: {  	(xrf1) =	vsort.ascd.msk.f32 @p0 $0xffff, v3, v3;
	_ =	sdelay $0xa  }
.Ltmp7:
0xfb: {  	_ = 	snop;
	(pc) =	sbr.rel .LBB2_5-.Ltmp7, $3  }
0xfc: {  	_ =	sdelay $0x1  }
0xfd: {  	v3, _, _ =	vpop @p0 (xrf1)  }
0xfe: {  	v10 =	vpsel p0, v3, v4  }
.LBB2_8:
0xff: {  	_ =	sfence.sel $0x180000  }
0x100: {  	[bflag:$0x0] =	sbarrier.arrive $0xFFFF  }
0x101: {  	p0 =	sne.s32 s1, $0x0;
	_ =	strace $0x90000047  }
0x102: {  	s0 =	sadd.s32 @!p0 $0x100000, s0;
	[bflag:$0x2] =	sbarrier.arrive $0xFFFF  }
0x103: {  	[sflag:s0] =	ssyncadd.tile.s32 @!p0 $0x1;
	_ =	shalt  }
.Lfunc_end2:
_tile_overlayer_lowered:
.L_overlay_start_2:
0x104: {  	(tag) =	ssettag $0x2  }
0x105: {  	s0 =	rddreg [dreg:$0x0];
	s2 =	stileid.u32  }
0x106: {  	s1 =	rddreg [dreg:$0x1];
	p0 =	sne.s32 s2, $0x0  }
0x107: {  	s3 =	rddreg [dreg:$0x2];
	[bflag:$0x3] =	sbarrier.arrive $0xFFFF;
	s2 =	simm.s32 @!p0 $0x1C01  }
0x108: {  	[timem:s3], [sflag:s2] =	dma.local @!p0 [hbm:s0], s1  }
0x109: {  	s0 =	simm.s32 @!p0 $0x1  }
0x10a: {  	_ =	swait.ge @!p0 [sflag:s0], s1  }
0x10b: {  	s1 =	ssub.s32 @!p0 $0x0, s1;
	[sflag:s0] =	ssyncset.done @!p0 $0x0  }
0x10c: {  	[sflag:s0] =	ssyncadd.s32 @!p0 s1  }
0x10d: {  	[bflag:$0x3] =	sbarrier.arrive $0xFFFF  }
0x10e: {  	_ =	shalt  }

</sc_bundles>
